<compile_context>
chip_gen: v7x
topology: tpu7x:2x2x1
jax: 0.10.2.dev20260603
libtpu: 0.0.44.dev20260713+nightly
codegen_flags: <defaults>
</compile_context>

<pallas_src>
import jax
import jax.numpy as jnp
from jax import lax
from jax.experimental import pallas as pl
from jax.experimental.pallas import tpu as pltpu
from jax.experimental.pallas import tpu_sc as plsc

NC = 2
NS = 16
NW = NC * NS
CHUNK = 128
CPG = 2
GPW_ROWS = CHUNK * CPG


def _gather_body(table_hbm, idx_hbm, out_hbm, idx_v,
                 rows0, rows1, g0, g1, w0, w1):
    rows = (rows0, rows1)
    gsem = (g0, g1)
    wsem = (w0, w1)

    n_chunk_rows = idx_hbm.shape[0]
    chunks_per_w = n_chunk_rows // NW
    ngroups = chunks_per_w // CPG
    wid = lax.axis_index("s") * NC + lax.axis_index("c")
    base_chunk = wid * chunks_per_w

    pltpu.sync_copy(idx_hbm.at[pl.ds(base_chunk, chunks_per_w)], idx_v)

    def fire_gathers(g, b):
        for h in range(CPG):
            pltpu.async_copy(
                table_hbm.at[idx_v.at[g * CPG + h]],
                rows[b].at[pl.ds(h * CHUNK, CHUNK)], gsem[b])

    def drain_gathers(g, b):
        for h in range(CPG):
            pltpu.make_async_copy(
                table_hbm.at[idx_v.at[g * CPG + h]],
                rows[b].at[pl.ds(h * CHUNK, CHUNK)], gsem[b]).wait()

    def fire_write(g, b):
        pltpu.async_copy(
            rows[b],
            out_hbm.at[pl.ds((base_chunk + g * CPG) * CHUNK, GPW_ROWS)],
            wsem[b])

    def drain_write(b):
        pltpu.make_async_copy(
            rows[b], out_hbm.at[pl.ds(0, GPW_ROWS)], wsem[b]).wait()

    fire_gathers(0, 0)
    drain_gathers(0, 0)
    fire_write(0, 0)
    fire_gathers(1, 1)

    @pl.loop(2, ngroups, step=2)
    def _(g):
        for h in range(2):
            b_prev = (h + 1) % 2
            b_cur = h
            drain_gathers(g + h - 1, b_prev)
            fire_write(g + h - 1, b_prev)
            drain_write(b_cur)
            fire_gathers(g + h, b_cur)

    drain_gathers(ngroups - 1, (ngroups - 1) % 2)
    fire_write(ngroups - 1, (ngroups - 1) % 2)
    drain_write(0)
    drain_write(1)


def kernel(x, table):
    B, S = x.shape
    V, D = table.shape
    total = B * S
    idx2d = x.reshape(total // CHUNK, CHUNK)

    mesh = plsc.VectorSubcoreMesh(
        core_axis_name="c", subcore_axis_name="s",
        num_cores=NC, num_subcores=NS)

    run = pl.kernel(
        _gather_body,
        out_type=jax.ShapeDtypeStruct((total, D), jnp.float32),
        mesh=mesh,
        scratch_types=[
            pltpu.VMEM((total // CHUNK // NW, CHUNK), jnp.int32),
            pltpu.VMEM((GPW_ROWS, D), jnp.float32),
            pltpu.VMEM((GPW_ROWS, D), jnp.float32),
            pltpu.SemaphoreType.DMA,
            pltpu.SemaphoreType.DMA,
            pltpu.SemaphoreType.DMA,
            pltpu.SemaphoreType.DMA,
        ],
    )
    out = run(table, idx2d)
    return out.reshape(B, S, D)

# --- scband reference (transcript-rebuilt; emitter-appended) ---
"""Pipeline reference for scband-gene2-vec-positional-embedding-idx-66443144069349 (READ-ONLY COPY).

The authoritative reference and input builder live on the scoring server;
editing this copy changes nothing except your own understanding.
"""

import jax, jax.numpy as jnp
import numpy as np

VOCAB = 100001  # gene2vec rows + 1 zero padding row
DIM = 128

def setup_inputs(seed: int = 0) -> dict:
    key = jax.random.key(seed)
    k1, k2 = jax.random.split(key)
    x = jax.random.randint(k1, (4096, 200), 0, VOCAB, dtype=jnp.int64 if jax.config.jax_enable_x64 else jnp.int32).astype(jnp.int32)
    # emulate gene2vec table: random weights with first row zeros (padding)
    table = jax.random.normal(k2, (VOCAB, DIM), dtype=jnp.float32) * 0.02
    table = table.at[0].set(0.0)
    return {"x": x, "table": table}

def reference(x, table):
    # nn.Embedding.from_pretrained(..., freeze=False): plain gather lookup
    return jnp.take(table, x, axis=0)

if __name__ == "__main__":
    import jax
    _d = setup_inputs()
    print(jax.jit(kernel)(*tuple(_d.values())))

</pallas_src>

<mosaic_0001>
#map = affine_map<(d0, d1) -> (0, 0)>
module attributes {stable_mosaic.version = 14 : i64} {
  func.func @_gather_body(%arg0: i32, %arg1: i32, %arg2: memref<100001x128xf32, #tpu.memory_space<hbm>>, %arg3: memref<6400x128xi32, #tpu.memory_space<hbm>>, %arg4: memref<819200x128xf32, #tpu.memory_space<hbm>>, %arg5: memref<200x128xi32, #tpu.memory_space<vmem>>, %arg6: memref<256x128xf32, #tpu.memory_space<vmem>>, %arg7: memref<256x128xf32, #tpu.memory_space<vmem>>, %arg8: memref<!tpu.dma_semaphore, #tpu.memory_space<semaphore_mem>>, %arg9: memref<!tpu.dma_semaphore, #tpu.memory_space<semaphore_mem>>, %arg10: memref<!tpu.dma_semaphore, #tpu.memory_space<semaphore_mem>>, %arg11: memref<!tpu.dma_semaphore, #tpu.memory_space<semaphore_mem>>) attributes {dimension_semantics = [#tpu.dimension_semantics<core_parallel>, #tpu.dimension_semantics<subcore_parallel>], iteration_bounds = array<i64: 2, 16>, scalar_prefetch = 0 : i64, scratch_operands = 7 : i64, tpu.core_type = #tpu.core_type<sc_vector_subcore>, window_params = [{transform_indices = #map}, {transform_indices = #map}, {transform_indices = #map}]} {
    %mul3A = arith.constant 2 : i32
    %mul3A_0 = arith.muli %arg1, %mul3A : i32
    %add3A = arith.addi %mul3A_0, %arg0 : i32
    %mul3A_1 = arith.constant 200 : i32
    %mul3A_2 = arith.muli %add3A, %mul3A_1 : i32
    "tpu.region"() ({
      %run_scoped3A = tpu.sem_alloc : memref<!tpu.dma_semaphore, #tpu.memory_space<semaphore_mem>>
      %dma_start3A_113 = arith.constant 0 : i32
      %dma_start3A_114 = tpu.memref_slice %arg3[%mul3A_2, %dma_start3A_113] : memref<6400x128xi32, #tpu.memory_space<hbm>> -> memref<200x128xi32, #tpu.memory_space<hbm>>
      %dma_start3A_115 = arith.constant 0 : i32
      %dma_start3A_116 = tpu.memref_slice %arg3[%mul3A_2, %dma_start3A_115] : memref<6400x128xi32, #tpu.memory_space<hbm>> -> memref<200x128xi32, #tpu.memory_space<hbm>>
      tpu.enqueue_dma source(%dma_start3A_116 : memref<200x128xi32, #tpu.memory_space<hbm>>) target(%arg5 : memref<200x128xi32, #tpu.memory_space<vmem>>) target_semaphore(%run_scoped3A : memref<!tpu.dma_semaphore, #tpu.memory_space<semaphore_mem>>)
      %dma_wait3A_117 = arith.constant 0 : i32
      %dma_wait3A_118 = tpu.memref_slice %arg3[%mul3A_2, %dma_wait3A_117] : memref<6400x128xi32, #tpu.memory_space<hbm>> -> memref<200x128xi32, #tpu.memory_space<hbm>>
      %dma_wait3A_119 = arith.constant 0 : i32
      %dma_wait3A_120 = tpu.memref_slice %arg3[%mul3A_2, %dma_wait3A_119] : memref<6400x128xi32, #tpu.memory_space<hbm>> -> memref<200x128xi32, #tpu.memory_space<hbm>>
      tpu.wait_dma2 semaphore(%run_scoped3A : memref<!tpu.dma_semaphore, #tpu.memory_space<semaphore_mem>>) src(%dma_wait3A_120 : memref<200x128xi32, #tpu.memory_space<hbm>>) dst(%arg5 : memref<200x128xi32, #tpu.memory_space<vmem>>)
      tpu.yield
    }) : () -> ()
    %dma_start3A = arith.constant 0 : i32
    %dma_start3A_3 = arith.constant 0 : i32
    %dma_start3A_4 = arith.constant 0 : i32
    %dma_start3A_5 = tpu.memref_slice %arg6[%dma_start3A_3, %dma_start3A_4] : memref<256x128xf32, #tpu.memory_space<vmem>> -> memref<128x128xf32, #tpu.memory_space<vmem>>
    %dma_start3A_6 = arith.constant 0 : i32
    %dma_start3A_7 = tpu.memref_slice %arg5[%dma_start3A, %dma_start3A_6] : memref<200x128xi32, #tpu.memory_space<vmem>> -> memref<1x128xi32, #tpu.memory_space<vmem>>
    %dma_start3A_8 = tpu.memref_squeeze %dma_start3A_7 : memref<1x128xi32, #tpu.memory_space<vmem>> -> memref<128xi32, #tpu.memory_space<vmem>>
    %dma_start3A_9 = arith.constant 0 : i32
    %dma_start3A_10 = arith.constant 0 : i32
    %dma_start3A_11 = tpu.memref_slice %arg2[%dma_start3A_9, %dma_start3A_10] : memref<100001x128xf32, #tpu.memory_space<hbm>> -> memref<100001x128xf32, #tpu.memory_space<hbm>>
    tpu.enqueue_indirect_dma source(%dma_start3A_11 : memref<100001x128xf32, #tpu.memory_space<hbm>>) target(%dma_start3A_5 : memref<128x128xf32, #tpu.memory_space<vmem>>) offsets(%dma_start3A_8 : memref<128xi32, #tpu.memory_space<vmem>>) semaphore(%arg8 : memref<!tpu.dma_semaphore, #tpu.memory_space<semaphore_mem>>)
    %dma_start3A_12 = arith.constant 1 : i32
    %dma_start3A_13 = arith.constant 128 : i32
    %dma_start3A_14 = arith.constant 0 : i32
    %dma_start3A_15 = tpu.memref_slice %arg6[%dma_start3A_13, %dma_start3A_14] : memref<256x128xf32, #tpu.memory_space<vmem>> -> memref<128x128xf32, #tpu.memory_space<vmem>>
    %dma_start3A_16 = arith.constant 0 : i32
    %dma_start3A_17 = tpu.memref_slice %arg5[%dma_start3A_12, %dma_start3A_16] : memref<200x128xi32, #tpu.memory_space<vmem>> -> memref<1x128xi32, #tpu.memory_space<vmem>>
    %dma_start3A_18 = tpu.memref_squeeze %dma_start3A_17 : memref<1x128xi32, #tpu.memory_space<vmem>> -> memref<128xi32, #tpu.memory_space<vmem>>
    %dma_start3A_19 = arith.constant 0 : i32
    %dma_start3A_20 = arith.constant 0 : i32
    %dma_start3A_21 = tpu.memref_slice %arg2[%dma_start3A_19, %dma_start3A_20] : memref<100001x128xf32, #tpu.memory_space<hbm>> -> memref<100001x128xf32, #tpu.memory_space<hbm>>
    tpu.enqueue_indirect_dma source(%dma_start3A_21 : memref<100001x128xf32, #tpu.memory_space<hbm>>) target(%dma_start3A_15 : memref<128x128xf32, #tpu.memory_space<vmem>>) offsets(%dma_start3A_18 : memref<128xi32, #tpu.memory_space<vmem>>) semaphore(%arg8 : memref<!tpu.dma_semaphore, #tpu.memory_space<semaphore_mem>>)
    %dma_wait3A = arith.constant 0 : i32
    %dma_wait3A_22 = arith.constant 0 : i32
    %dma_wait3A_23 = arith.constant 0 : i32
    %dma_wait3A_24 = tpu.memref_slice %arg6[%dma_wait3A_22, %dma_wait3A_23] : memref<256x128xf32, #tpu.memory_space<vmem>> -> memref<128x128xf32, #tpu.memory_space<vmem>>
    %dma_wait3A_25 = arith.constant 0 : i32
    %dma_wait3A_26 = tpu.memref_slice %arg5[%dma_wait3A, %dma_wait3A_25] : memref<200x128xi32, #tpu.memory_space<vmem>> -> memref<1x128xi32, #tpu.memory_space<vmem>>
    %dma_wait3A_27 = tpu.memref_squeeze %dma_wait3A_26 : memref<1x128xi32, #tpu.memory_space<vmem>> -> memref<128xi32, #tpu.memory_space<vmem>>
    %dma_wait3A_28 = arith.constant 0 : i32
    %dma_wait3A_29 = arith.constant 0 : i32
    %dma_wait3A_30 = tpu.memref_slice %arg2[%dma_wait3A_28, %dma_wait3A_29] : memref<100001x128xf32, #tpu.memory_space<hbm>> -> memref<100001x128xf32, #tpu.memory_space<hbm>>
    tpu.wait_indirect_dma semaphore(%arg8 : memref<!tpu.dma_semaphore, #tpu.memory_space<semaphore_mem>>) src(%dma_wait3A_30 : memref<100001x128xf32, #tpu.memory_space<hbm>>) dst(%dma_wait3A_24 : memref<128x128xf32, #tpu.memory_space<vmem>>)
    %dma_wait3A_31 = arith.constant 1 : i32
    %dma_wait3A_32 = arith.constant 128 : i32
    %dma_wait3A_33 = arith.constant 0 : i32
    %dma_wait3A_34 = tpu.memref_slice %arg6[%dma_wait3A_32, %dma_wait3A_33] : memref<256x128xf32, #tpu.memory_space<vmem>> -> memref<128x128xf32, #tpu.memory_space<vmem>>
    %dma_wait3A_35 = arith.constant 0 : i32
    %dma_wait3A_36 = tpu.memref_slice %arg5[%dma_wait3A_31, %dma_wait3A_35] : memref<200x128xi32, #tpu.memory_space<vmem>> -> memref<1x128xi32, #tpu.memory_space<vmem>>
    %dma_wait3A_37 = tpu.memref_squeeze %dma_wait3A_36 : memref<1x128xi32, #tpu.memory_space<vmem>> -> memref<128xi32, #tpu.memory_space<vmem>>
    %dma_wait3A_38 = arith.constant 0 : i32
    %dma_wait3A_39 = arith.constant 0 : i32
    %dma_wait3A_40 = tpu.memref_slice %arg2[%dma_wait3A_38, %dma_wait3A_39] : memref<100001x128xf32, #tpu.memory_space<hbm>> -> memref<100001x128xf32, #tpu.memory_space<hbm>>
    tpu.wait_indirect_dma semaphore(%arg8 : memref<!tpu.dma_semaphore, #tpu.memory_space<semaphore_mem>>) src(%dma_wait3A_40 : memref<100001x128xf32, #tpu.memory_space<hbm>>) dst(%dma_wait3A_34 : memref<128x128xf32, #tpu.memory_space<vmem>>)
    %add3A_41 = arith.constant 0 : i32
    %add3A_42 = arith.addi %mul3A_2, %add3A_41 : i32
    %mul3A_43 = arith.constant 128 : i32
    %mul3A_44 = arith.muli %add3A_42, %mul3A_43 : i32
    %dma_start3A_45 = arith.constant 0 : i32
    %dma_start3A_46 = tpu.memref_slice %arg4[%mul3A_44, %dma_start3A_45] : memref<819200x128xf32, #tpu.memory_space<hbm>> -> memref<256x128xf32, #tpu.memory_space<hbm>>
    %dma_start3A_47 = arith.constant 0 : i32
    %dma_start3A_48 = tpu.memref_slice %arg4[%mul3A_44, %dma_start3A_47] : memref<819200x128xf32, #tpu.memory_space<hbm>> -> memref<256x128xf32, #tpu.memory_space<hbm>>
    tpu.enqueue_dma source(%arg6 : memref<256x128xf32, #tpu.memory_space<vmem>>) target(%dma_start3A_48 : memref<256x128xf32, #tpu.memory_space<hbm>>) target_semaphore(%arg10 : memref<!tpu.dma_semaphore, #tpu.memory_space<semaphore_mem>>)
    %dma_start3A_49 = arith.constant 2 : i32
    %dma_start3A_50 = arith.constant 0 : i32
    %dma_start3A_51 = arith.constant 0 : i32
    %dma_start3A_52 = tpu.memref_slice %arg7[%dma_start3A_50, %dma_start3A_51] : memref<256x128xf32, #tpu.memory_space<vmem>> -> memref<128x128xf32, #tpu.memory_space<vmem>>
    %dma_start3A_53 = arith.constant 0 : i32
    %dma_start3A_54 = tpu.memref_slice %arg5[%dma_start3A_49, %dma_start3A_53] : memref<200x128xi32, #tpu.memory_space<vmem>> -> memref<1x128xi32, #tpu.memory_space<vmem>>
    %dma_start3A_55 = tpu.memref_squeeze %dma_start3A_54 : memref<1x128xi32, #tpu.memory_space<vmem>> -> memref<128xi32, #tpu.memory_space<vmem>>
    %dma_start3A_56 = arith.constant 0 : i32
    %dma_start3A_57 = arith.constant 0 : i32
    %dma_start3A_58 = tpu.memref_slice %arg2[%dma_start3A_56, %dma_start3A_57] : memref<100001x128xf32, #tpu.memory_space<hbm>> -> memref<100001x128xf32, #tpu.memory_space<hbm>>
    tpu.enqueue_indirect_dma source(%dma_start3A_58 : memref<100001x128xf32, #tpu.memory_space<hbm>>) target(%dma_start3A_52 : memref<128x128xf32, #tpu.memory_space<vmem>>) offsets(%dma_start3A_55 : memref<128xi32, #tpu.memory_space<vmem>>) semaphore(%arg9 : memref<!tpu.dma_semaphore, #tpu.memory_space<semaphore_mem>>)
    %dma_start3A_59 = arith.constant 3 : i32
    %dma_start3A_60 = arith.constant 128 : i32
    %dma_start3A_61 = arith.constant 0 : i32
    %dma_start3A_62 = tpu.memref_slice %arg7[%dma_start3A_60, %dma_start3A_61] : memref<256x128xf32, #tpu.memory_space<vmem>> -> memref<128x128xf32, #tpu.memory_space<vmem>>
    %dma_start3A_63 = arith.constant 0 : i32
    %dma_start3A_64 = tpu.memref_slice %arg5[%dma_start3A_59, %dma_start3A_63] : memref<200x128xi32, #tpu.memory_space<vmem>> -> memref<1x128xi32, #tpu.memory_space<vmem>>
    %dma_start3A_65 = tpu.memref_squeeze %dma_start3A_64 : memref<1x128xi32, #tpu.memory_space<vmem>> -> memref<128xi32, #tpu.memory_space<vmem>>
    %dma_start3A_66 = arith.constant 0 : i32
    %dma_start3A_67 = arith.constant 0 : i32
    %dma_start3A_68 = tpu.memref_slice %arg2[%dma_start3A_66, %dma_start3A_67] : memref<100001x128xf32, #tpu.memory_space<hbm>> -> memref<100001x128xf32, #tpu.memory_space<hbm>>
    tpu.enqueue_indirect_dma source(%dma_start3A_68 : memref<100001x128xf32, #tpu.memory_space<hbm>>) target(%dma_start3A_62 : memref<128x128xf32, #tpu.memory_space<vmem>>) offsets(%dma_start3A_65 : memref<128xi32, #tpu.memory_space<vmem>>) semaphore(%arg9 : memref<!tpu.dma_semaphore, #tpu.memory_space<semaphore_mem>>)
    %scan3A = arith.constant 0 : i32
    %scan3A_69 = arith.constant 49 : i32
    %scan3A_70 = arith.addi %scan3A, %scan3A_69 : i32
    %scan3A_71 = arith.constant 1 : i32
    scf.for %scan3A_113 = %scan3A to %scan3A_70 step %scan3A_71  : i32 {
      %mul3A_114 = arith.constant 2 : i32
      %mul3A_115 = arith.muli %scan3A_113, %mul3A_114 : i32
      %add3A_116 = arith.constant 2 : i32
      %add3A_117 = arith.addi %add3A_116, %mul3A_115 : i32
      %add3A_118 = arith.constant 0 : i32
      %add3A_119 = arith.addi %add3A_117, %add3A_118 : i32
      %sub3A = arith.constant 1 : i32
      %sub3A_120 = arith.subi %add3A_119, %sub3A : i32
      %mul3A_121 = arith.constant 2 : i32
      %mul3A_122 = arith.muli %sub3A_120, %mul3A_121 : i32
      %add3A_123 = arith.constant 0 : i32
      %add3A_124 = arith.addi %mul3A_122, %add3A_123 : i32
      %dma_wait3A_125 = arith.constant 0 : i32
      %dma_wait3A_126 = arith.constant 0 : i32
      %dma_wait3A_127 = tpu.memref_slice %arg7[%dma_wait3A_125, %dma_wait3A_126] : memref<256x128xf32, #tpu.memory_space<vmem>> -> memref<128x128xf32, #tpu.memory_space<vmem>>
      %dma_wait3A_128 = arith.constant 0 : i32
      %dma_wait3A_129 = tpu.memref_slice %arg5[%add3A_124, %dma_wait3A_128] : memref<200x128xi32, #tpu.memory_space<vmem>> -> memref<1x128xi32, #tpu.memory_space<vmem>>
      %dma_wait3A_130 = tpu.memref_squeeze %dma_wait3A_129 : memref<1x128xi32, #tpu.memory_space<vmem>> -> memref<128xi32, #tpu.memory_space<vmem>>
      %dma_wait3A_131 = arith.constant 0 : i32
      %dma_wait3A_132 = arith.constant 0 : i32
      %dma_wait3A_133 = tpu.memref_slice %arg2[%dma_wait3A_131, %dma_wait3A_132] : memref<100001x128xf32, #tpu.memory_space<hbm>> -> memref<100001x128xf32, #tpu.memory_space<hbm>>
      tpu.wait_indirect_dma semaphore(%arg9 : memref<!tpu.dma_semaphore, #tpu.memory_space<semaphore_mem>>) src(%dma_wait3A_133 : memref<100001x128xf32, #tpu.memory_space<hbm>>) dst(%dma_wait3A_127 : memref<128x128xf32, #tpu.memory_space<vmem>>)
      %mul3A_134 = arith.constant 2 : i32
      %mul3A_135 = arith.muli %sub3A_120, %mul3A_134 : i32
      %add3A_136 = arith.constant 1 : i32
      %add3A_137 = arith.addi %mul3A_135, %add3A_136 : i32
      %dma_wait3A_138 = arith.constant 128 : i32
      %dma_wait3A_139 = arith.constant 0 : i32
      %dma_wait3A_140 = tpu.memref_slice %arg7[%dma_wait3A_138, %dma_wait3A_139] : memref<256x128xf32, #tpu.memory_space<vmem>> -> memref<128x128xf32, #tpu.memory_space<vmem>>
      %dma_wait3A_141 = arith.constant 0 : i32
      %dma_wait3A_142 = tpu.memref_slice %arg5[%add3A_137, %dma_wait3A_141] : memref<200x128xi32, #tpu.memory_space<vmem>> -> memref<1x128xi32, #tpu.memory_space<vmem>>
      %dma_wait3A_143 = tpu.memref_squeeze %dma_wait3A_142 : memref<1x128xi32, #tpu.memory_space<vmem>> -> memref<128xi32, #tpu.memory_space<vmem>>
      %dma_wait3A_144 = arith.constant 0 : i32
      %dma_wait3A_145 = arith.constant 0 : i32
      %dma_wait3A_146 = tpu.memref_slice %arg2[%dma_wait3A_144, %dma_wait3A_145] : memref<100001x128xf32, #tpu.memory_space<hbm>> -> memref<100001x128xf32, #tpu.memory_space<hbm>>
      tpu.wait_indirect_dma semaphore(%arg9 : memref<!tpu.dma_semaphore, #tpu.memory_space<semaphore_mem>>) src(%dma_wait3A_146 : memref<100001x128xf32, #tpu.memory_space<hbm>>) dst(%dma_wait3A_140 : memref<128x128xf32, #tpu.memory_space<vmem>>)
      %add3A_147 = arith.constant 0 : i32
      %add3A_148 = arith.addi %add3A_117, %add3A_147 : i32
      %sub3A_149 = arith.constant 1 : i32
      %sub3A_150 = arith.subi %add3A_148, %sub3A_149 : i32
      %mul3A_151 = arith.constant 2 : i32
      %mul3A_152 = arith.muli %sub3A_150, %mul3A_151 : i32
      %add3A_153 = arith.addi %mul3A_2, %mul3A_152 : i32
      %mul3A_154 = arith.constant 128 : i32
      %mul3A_155 = arith.muli %add3A_153, %mul3A_154 : i32
      %dma_start3A_156 = arith.constant 0 : i32
      %dma_start3A_157 = tpu.memref_slice %arg4[%mul3A_155, %dma_start3A_156] : memref<819200x128xf32, #tpu.memory_space<hbm>> -> memref<256x128xf32, #tpu.memory_space<hbm>>
      %dma_start3A_158 = arith.constant 0 : i32
      %dma_start3A_159 = tpu.memref_slice %arg4[%mul3A_155, %dma_start3A_158] : memref<819200x128xf32, #tpu.memory_space<hbm>> -> memref<256x128xf32, #tpu.memory_space<hbm>>
      tpu.enqueue_dma source(%arg7 : memref<256x128xf32, #tpu.memory_space<vmem>>) target(%dma_start3A_159 : memref<256x128xf32, #tpu.memory_space<hbm>>) target_semaphore(%arg11 : memref<!tpu.dma_semaphore, #tpu.memory_space<semaphore_mem>>)
      %dma_wait3A_160 = arith.constant 0 : i32
      %dma_wait3A_161 = arith.constant 0 : i32
      %dma_wait3A_162 = tpu.memref_slice %arg4[%dma_wait3A_160, %dma_wait3A_161] : memref<819200x128xf32, #tpu.memory_space<hbm>> -> memref<256x128xf32, #tpu.memory_space<hbm>>
      %dma_wait3A_163 = arith.constant 0 : i32
      %dma_wait3A_164 = arith.constant 0 : i32
      %dma_wait3A_165 = tpu.memref_slice %arg4[%dma_wait3A_163, %dma_wait3A_164] : memref<819200x128xf32, #tpu.memory_space<hbm>> -> memref<256x128xf32, #tpu.memory_space<hbm>>
      tpu.wait_dma2 semaphore(%arg10 : memref<!tpu.dma_semaphore, #tpu.memory_space<semaphore_mem>>) src(%arg6 : memref<256x128xf32, #tpu.memory_space<vmem>>) dst(%dma_wait3A_165 : memref<256x128xf32, #tpu.memory_space<hbm>>)
      %add3A_166 = arith.constant 0 : i32
      %add3A_167 = arith.addi %add3A_117, %add3A_166 : i32
      %mul3A_168 = arith.constant 2 : i32
      %mul3A_169 = arith.muli %add3A_167, %mul3A_168 : i32
      %add3A_170 = arith.constant 0 : i32
      %add3A_171 = arith.addi %mul3A_169, %add3A_170 : i32
      %dma_start3A_172 = arith.constant 0 : i32
      %dma_start3A_173 = arith.constant 0 : i32
      %dma_start3A_174 = tpu.memref_slice %arg6[%dma_start3A_172, %dma_start3A_173] : memref<256x128xf32, #tpu.memory_space<vmem>> -> memref<128x128xf32, #tpu.memory_space<vmem>>
      %dma_start3A_175 = arith.constant 0 : i32
      %dma_start3A_176 = tpu.memref_slice %arg5[%add3A_171, %dma_start3A_175] : memref<200x128xi32, #tpu.memory_space<vmem>> -> memref<1x128xi32, #tpu.memory_space<vmem>>
      %dma_start3A_177 = tpu.memref_squeeze %dma_start3A_176 : memref<1x128xi32, #tpu.memory_space<vmem>> -> memref<128xi32, #tpu.memory_space<vmem>>
      %dma_start3A_178 = arith.constant 0 : i32
      %dma_start3A_179 = arith.constant 0 : i32
      %dma_start3A_180 = tpu.memref_slice %arg2[%dma_start3A_178, %dma_start3A_179] : memref<100001x128xf32, #tpu.memory_space<hbm>> -> memref<100001x128xf32, #tpu.memory_space<hbm>>
      tpu.enqueue_indirect_dma source(%dma_start3A_180 : memref<100001x128xf32, #tpu.memory_space<hbm>>) target(%dma_start3A_174 : memref<128x128xf32, #tpu.memory_space<vmem>>) offsets(%dma_start3A_177 : memref<128xi32, #tpu.memory_space<vmem>>) semaphore(%arg8 : memref<!tpu.dma_semaphore, #tpu.memory_space<semaphore_mem>>)
      %mul3A_181 = arith.constant 2 : i32
      %mul3A_182 = arith.muli %add3A_167, %mul3A_181 : i32
      %add3A_183 = arith.constant 1 : i32
      %add3A_184 = arith.addi %mul3A_182, %add3A_183 : i32
      %dma_start3A_185 = arith.constant 128 : i32
      %dma_start3A_186 = arith.constant 0 : i32
      %dma_start3A_187 = tpu.memref_slice %arg6[%dma_start3A_185, %dma_start3A_186] : memref<256x128xf32, #tpu.memory_space<vmem>> -> memref<128x128xf32, #tpu.memory_space<vmem>>
      %dma_start3A_188 = arith.constant 0 : i32
      %dma_start3A_189 = tpu.memref_slice %arg5[%add3A_184, %dma_start3A_188] : memref<200x128xi32, #tpu.memory_space<vmem>> -> memref<1x128xi32, #tpu.memory_space<vmem>>
      %dma_start3A_190 = tpu.memref_squeeze %dma_start3A_189 : memref<1x128xi32, #tpu.memory_space<vmem>> -> memref<128xi32, #tpu.memory_space<vmem>>
      %dma_start3A_191 = arith.constant 0 : i32
      %dma_start3A_192 = arith.constant 0 : i32
      %dma_start3A_193 = tpu.memref_slice %arg2[%dma_start3A_191, %dma_start3A_192] : memref<100001x128xf32, #tpu.memory_space<hbm>> -> memref<100001x128xf32, #tpu.memory_space<hbm>>
      tpu.enqueue_indirect_dma source(%dma_start3A_193 : memref<100001x128xf32, #tpu.memory_space<hbm>>) target(%dma_start3A_187 : memref<128x128xf32, #tpu.memory_space<vmem>>) offsets(%dma_start3A_190 : memref<128xi32, #tpu.memory_space<vmem>>) semaphore(%arg8 : memref<!tpu.dma_semaphore, #tpu.memory_space<semaphore_mem>>)
      %add3A_194 = arith.constant 1 : i32
      %add3A_195 = arith.addi %add3A_117, %add3A_194 : i32
      %sub3A_196 = arith.constant 1 : i32
      %sub3A_197 = arith.subi %add3A_195, %sub3A_196 : i32
      %mul3A_198 = arith.constant 2 : i32
      %mul3A_199 = arith.muli %sub3A_197, %mul3A_198 : i32
      %add3A_200 = arith.constant 0 : i32
      %add3A_201 = arith.addi %mul3A_199, %add3A_200 : i32
      %dma_wait3A_202 = arith.constant 0 : i32
      %dma_wait3A_203 = arith.constant 0 : i32
      %dma_wait3A_204 = tpu.memref_slice %arg6[%dma_wait3A_202, %dma_wait3A_203] : memref<256x128xf32, #tpu.memory_space<vmem>> -> memref<128x128xf32, #tpu.memory_space<vmem>>
      %dma_wait3A_205 = arith.constant 0 : i32
      %dma_wait3A_206 = tpu.memref_slice %arg5[%add3A_201, %dma_wait3A_205] : memref<200x128xi32, #tpu.memory_space<vmem>> -> memref<1x128xi32, #tpu.memory_space<vmem>>
      %dma_wait3A_207 = tpu.memref_squeeze %dma_wait3A_206 : memref<1x128xi32, #tpu.memory_space<vmem>> -> memref<128xi32, #tpu.memory_space<vmem>>
      %dma_wait3A_208 = arith.constant 0 : i32
      %dma_wait3A_209 = arith.constant 0 : i32
      %dma_wait3A_210 = tpu.memref_slice %arg2[%dma_wait3A_208, %dma_wait3A_209] : memref<100001x128xf32, #tpu.memory_space<hbm>> -> memref<100001x128xf32, #tpu.memory_space<hbm>>
      tpu.wait_indirect_dma semaphore(%arg8 : memref<!tpu.dma_semaphore, #tpu.memory_space<semaphore_mem>>) src(%dma_wait3A_210 : memref<100001x128xf32, #tpu.memory_space<hbm>>) dst(%dma_wait3A_204 : memref<128x128xf32, #tpu.memory_space<vmem>>)
      %mul3A_211 = arith.constant 2 : i32
      %mul3A_212 = arith.muli %sub3A_197, %mul3A_211 : i32
      %add3A_213 = arith.constant 1 : i32
      %add3A_214 = arith.addi %mul3A_212, %add3A_213 : i32
      %dma_wait3A_215 = arith.constant 128 : i32
      %dma_wait3A_216 = arith.constant 0 : i32
      %dma_wait3A_217 = tpu.memref_slice %arg6[%dma_wait3A_215, %dma_wait3A_216] : memref<256x128xf32, #tpu.memory_space<vmem>> -> memref<128x128xf32, #tpu.memory_space<vmem>>
      %dma_wait3A_218 = arith.constant 0 : i32
      %dma_wait3A_219 = tpu.memref_slice %arg5[%add3A_214, %dma_wait3A_218] : memref<200x128xi32, #tpu.memory_space<vmem>> -> memref<1x128xi32, #tpu.memory_space<vmem>>
      %dma_wait3A_220 = tpu.memref_squeeze %dma_wait3A_219 : memref<1x128xi32, #tpu.memory_space<vmem>> -> memref<128xi32, #tpu.memory_space<vmem>>
      %dma_wait3A_221 = arith.constant 0 : i32
      %dma_wait3A_222 = arith.constant 0 : i32
      %dma_wait3A_223 = tpu.memref_slice %arg2[%dma_wait3A_221, %dma_wait3A_222] : memref<100001x128xf32, #tpu.memory_space<hbm>> -> memref<100001x128xf32, #tpu.memory_space<hbm>>
      tpu.wait_indirect_dma semaphore(%arg8 : memref<!tpu.dma_semaphore, #tpu.memory_space<semaphore_mem>>) src(%dma_wait3A_223 : memref<100001x128xf32, #tpu.memory_space<hbm>>) dst(%dma_wait3A_217 : memref<128x128xf32, #tpu.memory_space<vmem>>)
      %add3A_224 = arith.constant 1 : i32
      %add3A_225 = arith.addi %add3A_117, %add3A_224 : i32
      %sub3A_226 = arith.constant 1 : i32
      %sub3A_227 = arith.subi %add3A_225, %sub3A_226 : i32
      %mul3A_228 = arith.constant 2 : i32
      %mul3A_229 = arith.muli %sub3A_227, %mul3A_228 : i32
      %add3A_230 = arith.addi %mul3A_2, %mul3A_229 : i32
      %mul3A_231 = arith.constant 128 : i32
      %mul3A_232 = arith.muli %add3A_230, %mul3A_231 : i32
      %dma_start3A_233 = arith.constant 0 : i32
      %dma_start3A_234 = tpu.memref_slice %arg4[%mul3A_232, %dma_start3A_233] : memref<819200x128xf32, #tpu.memory_space<hbm>> -> memref<256x128xf32, #tpu.memory_space<hbm>>
      %dma_start3A_235 = arith.constant 0 : i32
      %dma_start3A_236 = tpu.memref_slice %arg4[%mul3A_232, %dma_start3A_235] : memref<819200x128xf32, #tpu.memory_space<hbm>> -> memref<256x128xf32, #tpu.memory_space<hbm>>
      tpu.enqueue_dma source(%arg6 : memref<256x128xf32, #tpu.memory_space<vmem>>) target(%dma_start3A_236 : memref<256x128xf32, #tpu.memory_space<hbm>>) target_semaphore(%arg10 : memref<!tpu.dma_semaphore, #tpu.memory_space<semaphore_mem>>)
      %dma_wait3A_237 = arith.constant 0 : i32
      %dma_wait3A_238 = arith.constant 0 : i32
      %dma_wait3A_239 = tpu.memref_slice %arg4[%dma_wait3A_237, %dma_wait3A_238] : memref<819200x128xf32, #tpu.memory_space<hbm>> -> memref<256x128xf32, #tpu.memory_space<hbm>>
      %dma_wait3A_240 = arith.constant 0 : i32
      %dma_wait3A_241 = arith.constant 0 : i32
      %dma_wait3A_242 = tpu.memref_slice %arg4[%dma_wait3A_240, %dma_wait3A_241] : memref<819200x128xf32, #tpu.memory_space<hbm>> -> memref<256x128xf32, #tpu.memory_space<hbm>>
      tpu.wait_dma2 semaphore(%arg11 : memref<!tpu.dma_semaphore, #tpu.memory_space<semaphore_mem>>) src(%arg7 : memref<256x128xf32, #tpu.memory_space<vmem>>) dst(%dma_wait3A_242 : memref<256x128xf32, #tpu.memory_space<hbm>>)
      %add3A_243 = arith.constant 1 : i32
      %add3A_244 = arith.addi %add3A_117, %add3A_243 : i32
      %mul3A_245 = arith.constant 2 : i32
      %mul3A_246 = arith.muli %add3A_244, %mul3A_245 : i32
      %add3A_247 = arith.constant 0 : i32
      %add3A_248 = arith.addi %mul3A_246, %add3A_247 : i32
      %dma_start3A_249 = arith.constant 0 : i32
      %dma_start3A_250 = arith.constant 0 : i32
      %dma_start3A_251 = tpu.memref_slice %arg7[%dma_start3A_249, %dma_start3A_250] : memref<256x128xf32, #tpu.memory_space<vmem>> -> memref<128x128xf32, #tpu.memory_space<vmem>>
      %dma_start3A_252 = arith.constant 0 : i32
      %dma_start3A_253 = tpu.memref_slice %arg5[%add3A_248, %dma_start3A_252] : memref<200x128xi32, #tpu.memory_space<vmem>> -> memref<1x128xi32, #tpu.memory_space<vmem>>
      %dma_start3A_254 = tpu.memref_squeeze %dma_start3A_253 : memref<1x128xi32, #tpu.memory_space<vmem>> -> memref<128xi32, #tpu.memory_space<vmem>>
      %dma_start3A_255 = arith.constant 0 : i32
      %dma_start3A_256 = arith.constant 0 : i32
      %dma_start3A_257 = tpu.memref_slice %arg2[%dma_start3A_255, %dma_start3A_256] : memref<100001x128xf32, #tpu.memory_space<hbm>> -> memref<100001x128xf32, #tpu.memory_space<hbm>>
      tpu.enqueue_indirect_dma source(%dma_start3A_257 : memref<100001x128xf32, #tpu.memory_space<hbm>>) target(%dma_start3A_251 : memref<128x128xf32, #tpu.memory_space<vmem>>) offsets(%dma_start3A_254 : memref<128xi32, #tpu.memory_space<vmem>>) semaphore(%arg9 : memref<!tpu.dma_semaphore, #tpu.memory_space<semaphore_mem>>)
      %mul3A_258 = arith.constant 2 : i32
      %mul3A_259 = arith.muli %add3A_244, %mul3A_258 : i32
      %add3A_260 = arith.constant 1 : i32
      %add3A_261 = arith.addi %mul3A_259, %add3A_260 : i32
      %dma_start3A_262 = arith.constant 128 : i32
      %dma_start3A_263 = arith.constant 0 : i32
      %dma_start3A_264 = tpu.memref_slice %arg7[%dma_start3A_262, %dma_start3A_263] : memref<256x128xf32, #tpu.memory_space<vmem>> -> memref<128x128xf32, #tpu.memory_space<vmem>>
      %dma_start3A_265 = arith.constant 0 : i32
      %dma_start3A_266 = tpu.memref_slice %arg5[%add3A_261, %dma_start3A_265] : memref<200x128xi32, #tpu.memory_space<vmem>> -> memref<1x128xi32, #tpu.memory_space<vmem>>
      %dma_start3A_267 = tpu.memref_squeeze %dma_start3A_266 : memref<1x128xi32, #tpu.memory_space<vmem>> -> memref<128xi32, #tpu.memory_space<vmem>>
      %dma_start3A_268 = arith.constant 0 : i32
      %dma_start3A_269 = arith.constant 0 : i32
      %dma_start3A_270 = tpu.memref_slice %arg2[%dma_start3A_268, %dma_start3A_269] : memref<100001x128xf32, #tpu.memory_space<hbm>> -> memref<100001x128xf32, #tpu.memory_space<hbm>>
      tpu.enqueue_indirect_dma source(%dma_start3A_270 : memref<100001x128xf32, #tpu.memory_space<hbm>>) target(%dma_start3A_264 : memref<128x128xf32, #tpu.memory_space<vmem>>) offsets(%dma_start3A_267 : memref<128xi32, #tpu.memory_space<vmem>>) semaphore(%arg9 : memref<!tpu.dma_semaphore, #tpu.memory_space<semaphore_mem>>)
    }
    %scan3A_72 = arith.constant 49 : i32
    %dma_wait3A_73 = arith.constant 198 : i32
    %dma_wait3A_74 = arith.constant 0 : i32
    %dma_wait3A_75 = arith.constant 0 : i32
    %dma_wait3A_76 = tpu.memref_slice %arg7[%dma_wait3A_74, %dma_wait3A_75] : memref<256x128xf32, #tpu.memory_space<vmem>> -> memref<128x128xf32, #tpu.memory_space<vmem>>
    %dma_wait3A_77 = arith.constant 0 : i32
    %dma_wait3A_78 = tpu.memref_slice %arg5[%dma_wait3A_73, %dma_wait3A_77] : memref<200x128xi32, #tpu.memory_space<vmem>> -> memref<1x128xi32, #tpu.memory_space<vmem>>
    %dma_wait3A_79 = tpu.memref_squeeze %dma_wait3A_78 : memref<1x128xi32, #tpu.memory_space<vmem>> -> memref<128xi32, #tpu.memory_space<vmem>>
    %dma_wait3A_80 = arith.constant 0 : i32
    %dma_wait3A_81 = arith.constant 0 : i32
    %dma_wait3A_82 = tpu.memref_slice %arg2[%dma_wait3A_80, %dma_wait3A_81] : memref<100001x128xf32, #tpu.memory_space<hbm>> -> memref<100001x128xf32, #tpu.memory_space<hbm>>
    tpu.wait_indirect_dma semaphore(%arg9 : memref<!tpu.dma_semaphore, #tpu.memory_space<semaphore_mem>>) src(%dma_wait3A_82 : memref<100001x128xf32, #tpu.memory_space<hbm>>) dst(%dma_wait3A_76 : memref<128x128xf32, #tpu.memory_space<vmem>>)
    %dma_wait3A_83 = arith.constant 199 : i32
    %dma_wait3A_84 = arith.constant 128 : i32
    %dma_wait3A_85 = arith.constant 0 : i32
    %dma_wait3A_86 = tpu.memref_slice %arg7[%dma_wait3A_84, %dma_wait3A_85] : memref<256x128xf32, #tpu.memory_space<vmem>> -> memref<128x128xf32, #tpu.memory_space<vmem>>
    %dma_wait3A_87 = arith.constant 0 : i32
    %dma_wait3A_88 = tpu.memref_slice %arg5[%dma_wait3A_83, %dma_wait3A_87] : memref<200x128xi32, #tpu.memory_space<vmem>> -> memref<1x128xi32, #tpu.memory_space<vmem>>
    %dma_wait3A_89 = tpu.memref_squeeze %dma_wait3A_88 : memref<1x128xi32, #tpu.memory_space<vmem>> -> memref<128xi32, #tpu.memory_space<vmem>>
    %dma_wait3A_90 = arith.constant 0 : i32
    %dma_wait3A_91 = arith.constant 0 : i32
    %dma_wait3A_92 = tpu.memref_slice %arg2[%dma_wait3A_90, %dma_wait3A_91] : memref<100001x128xf32, #tpu.memory_space<hbm>> -> memref<100001x128xf32, #tpu.memory_space<hbm>>
    tpu.wait_indirect_dma semaphore(%arg9 : memref<!tpu.dma_semaphore, #tpu.memory_space<semaphore_mem>>) src(%dma_wait3A_92 : memref<100001x128xf32, #tpu.memory_space<hbm>>) dst(%dma_wait3A_86 : memref<128x128xf32, #tpu.memory_space<vmem>>)
    %add3A_93 = arith.constant 198 : i32
    %add3A_94 = arith.addi %mul3A_2, %add3A_93 : i32
    %mul3A_95 = arith.constant 128 : i32
    %mul3A_96 = arith.muli %add3A_94, %mul3A_95 : i32
    %dma_start3A_97 = arith.constant 0 : i32
    %dma_start3A_98 = tpu.memref_slice %arg4[%mul3A_96, %dma_start3A_97] : memref<819200x128xf32, #tpu.memory_space<hbm>> -> memref<256x128xf32, #tpu.memory_space<hbm>>
    %dma_start3A_99 = arith.constant 0 : i32
    %dma_start3A_100 = tpu.memref_slice %arg4[%mul3A_96, %dma_start3A_99] : memref<819200x128xf32, #tpu.memory_space<hbm>> -> memref<256x128xf32, #tpu.memory_space<hbm>>
    tpu.enqueue_dma source(%arg7 : memref<256x128xf32, #tpu.memory_space<vmem>>) target(%dma_start3A_100 : memref<256x128xf32, #tpu.memory_space<hbm>>) target_semaphore(%arg11 : memref<!tpu.dma_semaphore, #tpu.memory_space<semaphore_mem>>)
    %dma_wait3A_101 = arith.constant 0 : i32
    %dma_wait3A_102 = arith.constant 0 : i32
    %dma_wait3A_103 = tpu.memref_slice %arg4[%dma_wait3A_101, %dma_wait3A_102] : memref<819200x128xf32, #tpu.memory_space<hbm>> -> memref<256x128xf32, #tpu.memory_space<hbm>>
    %dma_wait3A_104 = arith.constant 0 : i32
    %dma_wait3A_105 = arith.constant 0 : i32
    %dma_wait3A_106 = tpu.memref_slice %arg4[%dma_wait3A_104, %dma_wait3A_105] : memref<819200x128xf32, #tpu.memory_space<hbm>> -> memref<256x128xf32, #tpu.memory_space<hbm>>
    tpu.wait_dma2 semaphore(%arg10 : memref<!tpu.dma_semaphore, #tpu.memory_space<semaphore_mem>>) src(%arg6 : memref<256x128xf32, #tpu.memory_space<vmem>>) dst(%dma_wait3A_106 : memref<256x128xf32, #tpu.memory_space<hbm>>)
    %dma_wait3A_107 = arith.constant 0 : i32
    %dma_wait3A_108 = arith.constant 0 : i32
    %dma_wait3A_109 = tpu.memref_slice %arg4[%dma_wait3A_107, %dma_wait3A_108] : memref<819200x128xf32, #tpu.memory_space<hbm>> -> memref<256x128xf32, #tpu.memory_space<hbm>>
    %dma_wait3A_110 = arith.constant 0 : i32
    %dma_wait3A_111 = arith.constant 0 : i32
    %dma_wait3A_112 = tpu.memref_slice %arg4[%dma_wait3A_110, %dma_wait3A_111] : memref<819200x128xf32, #tpu.memory_space<hbm>> -> memref<256x128xf32, #tpu.memory_space<hbm>>
    tpu.wait_dma2 semaphore(%arg11 : memref<!tpu.dma_semaphore, #tpu.memory_space<semaphore_mem>>) src(%arg7 : memref<256x128xf32, #tpu.memory_space<vmem>>) dst(%dma_wait3A_112 : memref<256x128xf32, #tpu.memory_space<hbm>>)
    return
  }
}

</mosaic_0001>

<sc_bundles>
// kernel: kernel.3.cloned.1.call-start
scs
__scs_entry_jumppad:
0x0: {  	(pc) =	sbr.rel $0x88, $3  }
0x1: {  	(tag) =	ssettag $0x0;
	lr =	simm.s32 $0x1  }
0x2: {  	[smem:$0x3F9F] =	sst lr;
	_ =	strace $0xD0000000  }
0x3: {  	_ = 	snop  }
0x4: {  	_ = 	snop  }
0x5: {  	_ = 	snop  }
0x6: {  	_ = 	snop  }
0x7: {  	_ = 	snop  }
__scs_overlays_trampoline_lowered:
0x8: {  	[smem:$0x3FAE] =	sst s0  }
0x9: {  	[smem:$0x3FAF] =	sst s1  }
0xa: {  	[smem:$0x3FB0] =	sst s2  }
0xb: {  	[smem:$0x3FB1] =	sst s3  }
0xc: {  	[smem:$0x3FB2] =	sst s4  }
0xd: {  	[smem:$0x3FB3] =	sst s5  }
0xe: {  	[smem:$0x3FB4] =	sst s6  }
0xf: {  	[smem:$0x3FB5] =	sst s7  }
0x10: {  	[smem:$0x3FB6] =	sst s8  }
0x11: {  	[smem:$0x3FB7] =	sst s9;
	s0 =	simm.s32 @!p0 $0x0  }
0x12: {  	s1 =	sld [smem:$0x3F9D];
	s0 =	simm.s32 @p0 $0x1  }
0x13: {  	[smem:$0x3FB8] =	sst s0;
	s0 =	simm.s32 @!p1 $0x0  }
0x14: {  	s2 =	sld [smem:$0x3F9C];
	s0 =	simm.s32 @p1 $0x1  }
0x15: {  	[smem:$0x3FB9] =	sst s0;
	s0 =	simm.s32 @!p2 $0x0  }
0x16: {  	s3 =	sld [smem:$0x3FDB];
	s0 =	simm.s32 @p2 $0x1  }
0x17: {  	s4 =	simm.s32 $0x1BF5;
	[smem:$0x3FBB] =	sst s0  }
0x18: {  	s0 =	sld [smem:$0x3F9E];
	_ =	swait.ge [sflag:s4], $0x0  }
0x19: {  	s7 =	sld [smem:$0x3F9F]  }
0x1a: {  	s8 =	sadd.s32 $0xFFFFE003, lr  }
0x1b: {  	s9 =	sadd.s32 $0xFFFFFEF7, lr;
	s5 =	simm.s32 $0xFFFFFFFF;
	p2 =	slt.u32 s8, $0xFFFFF086  }
0x1c: {  	p1 =	slt.u32 s9, $0xF7A;
	s5 =	simm.s32 @!p2 $0x0  }
0x1d: {  	s5 =	simm.s32 @p1 $0x1;
	p0 =	seq.s32 s7, s2  }
0x1e: {  	s7 =	smul.u32 @!p0 $0xF7A, s2;
	p2 =	seq.s32 @!p0 s5, $0x0  }
0x1f: {  	s9 =	smul.u32 $0xF7A, s1;
	s8 =	simm.s32 @!p0 $0x1BF5;
	p2 =	por !p2, p0  }
0x20: {  	[sflag:s8] =	ssyncset.s32 @!p0 $0xFFFFF086;
	s6 =	sadd.s32 @!p0 s3, s7;
	s7 =	simm.s32 @!p0 $0x108  }
0x21: {  	s3 =	sadd.s32 s3, s9;
	s6 =	sadd.s32 @!p0 $0x88, s6;
	s7 =	simm.s32 @p2 $0x1082  }
0x22: {  	[simem:s7], [sflag:s8] =	dma.local @!p0 [hbm:s6], $0xF7A  }
0x23: {  	s9 =	sor.u32 $0xD0000000, s2;
	s6 =	simm.s32 $0x108;
	_ =	swait.ge @!p0 [sflag:s8], $0x0  }
0x24: {  	s3 =	sadd.s32 $0x88, s3;
	s6 =	simm.s32 @!p1 $0x1082;
	[sflag:s4] =	ssyncset.s32 $0xFFFFF086  }
0x25: {  	[simem:s6], [sflag:s4] =	dma.local [hbm:s3], $0xF7A  }
0x26: {  	[smem:$0x3F9F] =	sst s1;
	(tag) =	ssettag s2;
	_ =	strace s9  }
0x27: {  	s1 =	sld [smem:$0x3FAF]  }
0x28: {  	s2 =	sld [smem:$0x3FB0]  }
0x29: {  	s4 =	sld [smem:$0x3FB2]  }
0x2a: {  	p0 =	seq.s32 s5, $0x0;
	s5 =	sld [smem:$0x3FB3]  }
0x2b: {  	s6 =	sld [smem:$0x3FB4]  }
0x2c: {  	s7 =	sld [smem:$0x3FB5]  }
0x2d: {  	s3 =	simm.s32 $0x108;
	s8 =	sld [smem:$0x3FB6]  }
0x2e: {  	s3 =	simm.s32 @!p0 $0x1082;
	s9 =	sld [smem:$0x3FB7]  }
0x2f: {  	lr =	sadd.s32 s0, s3;
	s0 =	sld [smem:$0x3FAE]  }
0x30: {  	s3 =	sld [smem:$0x3FB1]  }
0x31: {  	[smem:$0x3FBA] =	sst s10  }
0x32: {  	s10 =	sld [smem:$0x3FB8];
	_ =	sdelay $0x3  }
0x33: {  	p0 =	seq.s32 s10, $0x1;
	s10 =	sld [smem:$0x3FBA];
	_ =	sdelay $0x3  }
0x34: {  	[smem:$0x3FBA] =	sst s10  }
0x35: {  	s10 =	sld [smem:$0x3FB9];
	_ =	sdelay $0x3  }
0x36: {  	p1 =	seq.s32 s10, $0x1;
	s10 =	sld [smem:$0x3FBA];
	_ =	sdelay $0x3  }
0x37: {  	[smem:$0x3FBA] =	sst s10  }
0x38: {  	s10 =	sld [smem:$0x3FBB]  }
0x39: {  	_ = 	snop;
	(pc) =	sbr.ind lr, $3  }
0x3a: {  	_ = 	snop  }
0x3b: {  	_ = 	snop  }
0x3c: {  	p2 =	seq.s32 s10, $0x1;
	s10 =	sld [smem:$0x3FBA]  }
0x3d: {  	_ =	shalt  }
0x3e: {  	_ =	shalt  }
0x3f: {  	_ =	shalt  }
0x40: {  	_ =	shalt  }
0x41: {  	_ =	shalt  }
0x42: {  	_ =	shalt  }
0x43: {  	_ =	shalt  }
0x44: {  	_ =	shalt  }
0x45: {  	_ =	shalt  }
0x46: {  	_ =	shalt  }
0x47: {  	_ =	shalt  }
0x48: {  	_ =	shalt  }
0x49: {  	_ =	shalt  }
0x4a: {  	_ =	shalt  }
0x4b: {  	_ =	shalt  }
0x4c: {  	_ =	shalt  }
0x4d: {  	_ =	shalt  }
0x4e: {  	_ =	shalt  }
0x4f: {  	_ =	shalt  }
0x50: {  	_ =	shalt  }
0x51: {  	_ =	shalt  }
0x52: {  	_ =	shalt  }
0x53: {  	_ =	shalt  }
0x54: {  	_ =	shalt  }
0x55: {  	_ =	shalt  }
0x56: {  	_ =	shalt  }
0x57: {  	_ =	shalt  }
0x58: {  	_ =	shalt  }
0x59: {  	_ =	shalt  }
0x5a: {  	_ =	shalt  }
0x5b: {  	_ =	shalt  }
0x5c: {  	_ =	shalt  }
0x5d: {  	_ =	shalt  }
0x5e: {  	_ =	shalt  }
0x5f: {  	_ =	shalt  }
0x60: {  	_ =	shalt  }
0x61: {  	_ =	shalt  }
0x62: {  	_ =	shalt  }
0x63: {  	_ =	shalt  }
0x64: {  	_ =	shalt  }
0x65: {  	_ =	shalt  }
0x66: {  	_ =	shalt  }
0x67: {  	_ =	shalt  }
0x68: {  	_ =	shalt  }
0x69: {  	_ =	shalt  }
0x6a: {  	_ =	shalt  }
0x6b: {  	_ =	shalt  }
0x6c: {  	_ =	shalt  }
0x6d: {  	_ =	shalt  }
0x6e: {  	_ =	shalt  }
0x6f: {  	_ =	shalt  }
0x70: {  	_ =	shalt  }
0x71: {  	_ =	shalt  }
0x72: {  	_ =	shalt  }
0x73: {  	_ =	shalt  }
0x74: {  	_ =	shalt  }
0x75: {  	_ =	shalt  }
0x76: {  	_ =	shalt  }
0x77: {  	_ =	shalt  }
0x78: {  	_ =	shalt  }
0x79: {  	_ =	shalt  }
0x7a: {  	_ =	shalt  }
0x7b: {  	_ =	shalt  }
0x7c: {  	_ =	shalt  }
0x7d: {  	_ =	shalt  }
0x7e: {  	_ =	shalt  }
0x7f: {  	_ =	shalt  }
0x80: {  	_ =	shalt  }
0x81: {  	_ =	shalt  }
0x82: {  	_ =	shalt  }
0x83: {  	_ =	shalt  }
0x84: {  	_ =	shalt  }
0x85: {  	_ =	shalt  }
0x86: {  	_ =	shalt  }
0x87: {  	_ =	shalt  }
.Lfunc_end0:
.L_simem_size_0:
called_computation_lowered:
.L_overlay_start_0:
0x88: {  	s2 =	sld [smem:$0x3FD9]  }
0x89: {  	s3 =	sld [smem:$0x3FFE];
	_ =	sdelay $0x1  }
0x8a: {  	s1 =	srdreg.scid  }
0x8b: {  	s0 =	sand.u32 $0x1, s1  }
0x8c: {  	s17 =	sshll.u32 s0, $0xA;
	s2 =	sadd.s32 s3, s2  }
0x8d: {  	s2 =	sadd.s32 s2, s17  }
0x8e: {  	[smem:$0x3FC6] =	sst s2  }
0x8f: {  	_ = 	snop  }
0x90: {  	s2 =	sld [smem:$0x3FC8]  }
0x91: {  	s18 =	sld [smem:$0x3FD0];
	(tm) =	ssettm $0x1  }
0x92: {  	s4 =	sld [smem:$0x3FFB];
	_ =	sdelay $0x3  }
0x93: {  	_ =	strace s4  }
0x94: {  	s4 =	sld [smem:$0x3FFC];
	_ =	sdelay $0x3  }
0x95: {  	_ =	strace s4  }
0x96: {  	s4 =	sld [smem:$0x3FFD];
	_ =	sdelay $0x3  }
0x97: {  	_ =	strace s4  }
0x98: {  	_ =	strace $0x8FFFFFFF  }
0x99: {  	s19 =	sld [smem:$0x3FDB];
	_ =	sdelay $0x1  }
0x9a: {  	s5 =	simm.s32 $_scs_section_size  }
0x9b: {  	s6 =	simm.s32 $_size__tile_overlayer_lowered;
	s7 =	simm.s32 $_tile_overlayer_lowered  }
0x9c: {  	s22 =	simm.s32 $0x1BFF;
	s21 =	sshll.u32 s7, $0x1;
	s4 =	sadd.s32 s5, s19  }
0x9d: {  	s8 =	simm.s32 $0x0;
	s20 =	sshll.u32 s6, $0x1;
	s6 =	sadd.s32 s21, s4  }
0x9e: {  	[timem:s8], [sflag:s22] =	dma.local [hbm:s6], s20  }
0x9f: {  	_ =	swait.ge [sflag:s22], s20  }
0xa0: {  	s5 =	ssub.s32 $0x0, s20;
	[sflag:s22] =	ssyncset.done $0x0  }
0xa1: {  	[sflag:s22] =	ssyncadd.s32 s5;
	_ =	sdelay $0x1  }
0xa2: {  	s23 =	simm.s32 $0x1B8B  }
0xa3: {  	_ =	swait.ge [sflag:s23], $0x1  }
0xa4: {  	[sflag:s23] =	ssyncset.done $0x0  }
0xa5: {  	s25 =	simm.s32 $0x1B8E;
	s24 =	sld [smem:$0x3FFE];
	[sflag:s23] =	ssyncadd.s32 $0xFFFFFFFF  }
0xa6: {  	s26 =	simm.s32 $execute0_lowered;
	[smem:$0x3FD2] =	sst s25  }
0xa7: {  	s6 =	sshll.u32 s26, $0x1;
	_ =	strace $0x80000046;
	[dreg:$0x1] =	wrdreg $0xFFFFFFFF  }
0xa8: {  	s28 =	simm.s32 $_size_execute0_lowered;
	s4 =	sadd.s32 s4, s6;
	[dreg:$0x0] =	wrdreg $0x0  }
0xa9: {  	s6 =	sshll.u32 s28, $0x1;
	[dreg:$0x2] =	wrdreg s4  }
0xaa: {  	[dreg:$0x3] =	wrdreg s6  }
0xab: {  	[dreg:$0x4] =	wrdreg $0xC0  }
0xac: {  	_ =	task [dreg:s8], $0x5FFFF  }
0xad: {  	[dreg:$0x1] =	wrdreg $0xFFFFFFFF  }
0xae: {  	[dreg:$0x0] =	wrdreg $0x60  }
0xaf: {  	[dreg:$0x2] =	wrdreg s2  }
0xb0: {  	[dreg:$0x3] =	wrdreg s24  }
0xb1: {  	[dreg:$0x4] =	wrdreg s18  }
0xb2: {  	[dreg:$0x5] =	wrdreg $0x9  }
0xb3: {  	_ =	task.clear_ibuf [dreg:s8], $0x6FFFF;
	_ =	strace $0x90000046  }
0xb4: {  	s29 =	simm.s32 $0x9;
	_ =	strace $0x80000048  }
0xb5: {  	_ =	swait.ge [sflag:s29], $0x1  }
0xb6: {  	[sflag:s29] =	ssyncadd.s32 $0xFFFFFFFF  }
0xb7: {  	_ =	strace $0x90000048  }
0xb8: {  	_ =	sfence  }
0xb9: {  	s30 =	sld [smem:$0x0];
	_ =	sdelay $0x2  }
0xba: {  	s31 =	sshll.u32 s1, $0xD;
	s1 =	sshrl.u32 s1, $0x2  }
0xbb: {  	s3 =	sand.u32 $0x4000, s31;
	s1 =	sadd.s32 s1, s30  }
0xbc: {  	s0 =	sor.u32 s3, s0;
	s1 =	sshll.u32 s1, $0x11  }
0xbd: {  	s0 =	sor.u32 s1, s0  }
0xbe: {  	s0 =	sadd.s32 $0x8F2B, s0  }
0xbf: {  	[sflag:s0] =	ssyncadd.remote.s32 $0x1  }
0xc0: {  	_ =	sfence.sel $0xFFFF  }
0xc1: {  	[dreg:$0x0] =	wrdreg $0xFFFFFFFF;
	(pc) =	sbr.abs _section_cstart, $3  }
0xc2: {  	[dreg:$0x1] =	wrdreg $0xFFFFFFFF  }
0xc3: {  	_ =	task.clear_ibuf [dreg:s8], $0x2FFFF;
	_ =	strace $0x9FFFFFFF  }
0xc4: {  	(tm) =	ssettm $0x7FFFFFFF  }
0xc5: {  	_ =	shalt  }
tec
execute0_lowered:
.L_overlay_start_1:
0x0: {  	(tag) =	ssettag $0x1  }
0x1: {  	s1 =	rddreg [dreg:$0x0]  }
0x2: {  	s2 =	srdreg.scid;
	s5 =	rddreg [dreg:$0x1]  }
0x3: {  	s0 =	stileid.u32;
	s8 =	rddreg [dreg:$0x2];
	s3 =	simm.s32 $0x0  }
0x4: {  	s14 =	simm.s32 $0x1;
	s15 =	simm.s32 $0x100;
	s16 =	simm.s32 $0xE400  }
0x5: {  	s17 =	simm.s32 $0x180;
	s18 =	simm.s32 $0x12400;
	s19 =	simm.s32 $0x2  }
0x6: {  	s20 =	simm.s32 $0x3;
	s21 =	simm.s32 $0x4;
	s22 =	simm.s32 $0x0  }
0x7: {  	s4 =	sand.u32 $0x1, s2;
	s25 =	sshll.u32 s0, $0x1;
	s11 =	smul.u32 $0x190, s0  }
0x8: {  	s2 =	rddreg [dreg:$0x3];
	s6 =	sor.u32 s4, s25;
	s13 =	smul.u32 $0xC8, s4  }
0x9: {  	[smem:$0x7FF] =	sst s3;
	s10 =	ssub.s32 $0x2, s4;
	s7 =	smul.u32 $0xC80, s6  }
0xa: {  	_ =	strace $0x80000047;
	s9 =	smul.u32 $0x320000, s6;
	s12 =	sshrl.u32 s10, $0x1  }
0xb: {  	s29 =	smul.u32 $0x64000, s6;
	s28 =	ssub.s32 s10, s12;
	s31 =	sadd.s32 s13, s11  }
0xc: {  	s10 =	simm.s32 $0x5;
	s11 =	simm.s32 $0x80;
	s12 =	simm.s32 $0x6400  }
0xd: {  	s13 =	simm.s32 $0xA400;
	s26 =	sadd.s32 s7, s5;
	s30 =	sshrl.u32 s9, $0x3  }
0xe: {  	s5 =	sadd.s32 s8, s29;
	s9 =	sshll.u32 s31, $0xB;
	s7 =	smax.u32 s28, $0x1  }
0xf: {  	s4 =	sadd.s32 $0x400, s26;
	s6 =	sadd.s32 s8, s30;
	s9 =	sadd.s32 s9, s8  }
0x10: {  	s6 =	sadd.s32 $0x63000, s6;
	s8 =	sadd.s32 $0x1000, s9;
	s9 =	sadd.s32 $0x2000, s9  }
.LBB2_1:
0x11: {  	[tilespmem:s3], [sflag:$0x5] =	stream.linear.gather [hbm4b:s4+s3], $0x6400, $0x38;
	[tilespmem:$0x16400] =	vst v63  }
0x12: {  	_ =	swait.ge [sflag:s10], $0x6400  }
0x13: {  	[sflag:s10] =	ssyncset.done $0x0  }
0x14: {  	[sflag:s10] =	ssyncadd.s32 $0xFFFF9C00  }
0x15: {  	[tilespmem:s12], [sflag:$0x1] =	stream.indirect.gather [hbm4b:s1+s11], $0x80, s3, s11, $0xb8;
	[tilespmem:$0x16400] =	vst v63  }
0x16: {  	_ = 	snop  }
0x17: {  	[tilespmem:s13], [sflag:$0x1] =	stream.indirect.gather [hbm4b:s1+s11], $0x80, s11, s11, $0xb8;
	[tilespmem:$0x16400] =	vst v63  }
0x18: {  	_ =	swait.ge [sflag:s14], $0x4000  }
0x19: {  	[sflag:s14] =	ssyncset.done $0x0  }
0x1a: {  	[sflag:s14] =	ssyncadd.s32 $0xFFFFC000  }
0x1b: {  	_ =	swait.ge [sflag:s14], $0x4000  }
0x1c: {  	[sflag:s14] =	ssyncset.done $0x0  }
0x1d: {  	[sflag:s14] =	ssyncadd.s32 $0xFFFFC000  }
0x1e: {  	[hbm4b:s5+s3] =	stream.linear.scatter [tilespmem:s12], [sflag:$0x3], $0x8000, $0x38;
	[tilespmem:$0x16400] =	vst v63  }
0x1f: {  	_ = 	snop  }
0x20: {  	[tilespmem:s16], [sflag:$0x2] =	stream.indirect.gather [hbm4b:s1+s11], $0x80, s15, s11, $0xb8;
	[tilespmem:$0x16400] =	vst v63  }
0x21: {  	_ = 	snop  }
0x22: {  	[tilespmem:s18], [sflag:$0x2] =	stream.indirect.gather [hbm4b:s1+s11], $0x80, s17, s11, $0xb8;
	[tilespmem:$0x16400] =	vst v63  }
0x23: {  	_ =	swait.ge [sflag:s19], $0x4000  }
0x24: {  	[sflag:s19] =	ssyncset.done $0x0  }
0x25: {  	[sflag:s19] =	ssyncadd.s32 $0xFFFFC000  }
0x26: {  	_ =	swait.ge [sflag:s19], $0x4000  }
0x27: {  	[sflag:s19] =	ssyncset.done $0x0  }
0x28: {  	[sflag:s19] =	ssyncadd.s32 $0xFFFFC000  }
0x29: {  	[hbm4b:s8+s3] =	stream.linear.scatter [tilespmem:s16], [sflag:$0x4], $0x8000, $0x38;
	[tilespmem:$0x16400] =	vst v63  }
0x2a: {  	_ =	swait.ge [sflag:s20], $0x8000  }
0x2b: {  	[sflag:s20] =	ssyncset.done $0x0  }
0x2c: {  	s23 =	simm.s32 $0x200;
	[sflag:s20] =	ssyncadd.s32 $0xFFFF8000  }
0x2d: {  	[tilespmem:s12], [sflag:$0x1] =	stream.indirect.gather [hbm4b:s1+s11], $0x80, s23, s11, $0xb8;
	[tilespmem:$0x16400] =	vst v63  }
0x2e: {  	s30 =	simm.s32 $0x280  }
0x2f: {  	[tilespmem:s13], [sflag:$0x1] =	stream.indirect.gather [hbm4b:s1+s11], $0x80, s30, s11, $0xb8;
	[tilespmem:$0x16400] =	vst v63  }
0x30: {  	_ =	swait.ge [sflag:s14], $0x4000  }
0x31: {  	[sflag:s14] =	ssyncset.done $0x0  }
0x32: {  	[sflag:s14] =	ssyncadd.s32 $0xFFFFC000  }
0x33: {  	_ =	swait.ge [sflag:s14], $0x4000  }
0x34: {  	[sflag:s14] =	ssyncset.done $0x0  }
0x35: {  	[sflag:s14] =	ssyncadd.s32 $0xFFFFC000  }
0x36: {  	[hbm4b:s9+s3] =	stream.linear.scatter [tilespmem:s12], [sflag:$0x3], $0x8000, $0x38;
	[tilespmem:$0x16400] =	vst v63  }
0x37: {  	s31 =	simm.s32 $0x300;
	_ =	swait.ge [sflag:s21], $0x8000  }
0x38: {  	s26 =	simm.s32 $0x380;
	s24 =	sadd.s32 $0x2000, s8;
	[sflag:s21] =	ssyncset.done $0x0  }
0x39: {  	s25 =	sadd.s32 $0x2000, s9;
	s23 =	simm.s32 $0x800;
	[sflag:s21] =	ssyncadd.s32 $0xFFFF8000  }
0x3a: {  	[tilespmem:s16], [sflag:$0x2] =	stream.indirect.gather [hbm4b:s1+s11], $0x80, s31, s11, $0xb8;
	[tilespmem:$0x16400] =	vst v63  }
.LBB2_2:
0x3b: {  	[tilespmem:s18], [sflag:$0x2] =	stream.indirect.gather [hbm4b:s1+s11], $0x80, s26, s11, $0xb8;
	[tilespmem:$0x16400] =	vst v63  }
0x3c: {  	s26 =	smov.u32 s23  }
0x3d: {  	p0 =	sne.s32 s23, $0x18000;
	s23 =	sadd.s32 $0x800, s23;
	_ =	swait.ge [sflag:s19], $0x4000  }
0x3e: {  	[sflag:s19] =	ssyncset.done $0x0  }
0x3f: {  	[sflag:s19] =	ssyncadd.s32 $0xFFFFC000  }
0x40: {  	_ =	swait.ge [sflag:s19], $0x4000  }
0x41: {  	[sflag:s19] =	ssyncset.done $0x0  }
0x42: {  	[sflag:s19] =	ssyncadd.s32 $0xFFFFC000  }
0x43: {  	[hbm4b:s24+s3] =	stream.linear.scatter [tilespmem:s16], [sflag:$0x4], $0x8000, $0x38;
	[tilespmem:$0x16400] =	vst v63  }
0x44: {  	_ =	swait.ge [sflag:s20], $0x8000  }
0x45: {  	s26 =	sshra.s32 s26, $0x2;
	[sflag:s20] =	ssyncset.done $0x0  }
0x46: {  	s28 =	sadd.s32 $0x200, s26;
	[sflag:s20] =	ssyncadd.s32 $0xFFFF8000  }
0x47: {  	[tilespmem:s12], [sflag:$0x1] =	stream.indirect.gather [hbm4b:s1+s11], $0x80, s28, s11, $0xb8;
	[tilespmem:$0x16400] =	vst v63  }
0x48: {  	s28 =	sadd.s32 $0x280, s26  }
0x49: {  	[tilespmem:s13], [sflag:$0x1] =	stream.indirect.gather [hbm4b:s1+s11], $0x80, s28, s11, $0xb8;
	[tilespmem:$0x16400] =	vst v63  }
0x4a: {  	_ =	swait.ge [sflag:s14], $0x4000  }
0x4b: {  	[sflag:s14] =	ssyncset.done $0x0  }
0x4c: {  	[sflag:s14] =	ssyncadd.s32 $0xFFFFC000  }
0x4d: {  	_ =	swait.ge [sflag:s14], $0x4000  }
0x4e: {  	[sflag:s14] =	ssyncset.done $0x0  }
0x4f: {  	[sflag:s14] =	ssyncadd.s32 $0xFFFFC000  }
0x50: {  	[hbm4b:s25+s3] =	stream.linear.scatter [tilespmem:s12], [sflag:$0x3], $0x8000, $0x38;
	[tilespmem:$0x16400] =	vst v63  }
.Ltmp0:
0x51: {  	_ =	swait.ge [sflag:s21], $0x8000;
	(pc) =	sbr.rel @p0 .LBB2_2-.Ltmp0, $4  }
0x52: {  	[sflag:s21] =	ssyncset.done $0x0  }
0x53: {  	s28 =	sadd.s32 $0x300, s26;
	[sflag:s21] =	ssyncadd.s32 $0xFFFF8000  }
0x54: {  	[tilespmem:s16], [sflag:$0x2] =	stream.indirect.gather [hbm4b:s1+s11], $0x80, s28, s11, $0xb8;
	[tilespmem:$0x16400] =	vst v63  }
0x55: {  	s24 =	sadd.s32 $0x2000, s24;
	s26 =	sadd.s32 $0x380, s26;
	s25 =	sadd.s32 $0x2000, s25  }
0x56: {  	[tilespmem:s18], [sflag:$0x2] =	stream.indirect.gather [hbm4b:s1+s11], $0x80, s26, s11, $0xb8;
	[tilespmem:$0x16400] =	vst v63  }
0x57: {  	_ =	swait.ge [sflag:s19], $0x4000  }
0x58: {  	[sflag:s19] =	ssyncset.done $0x0  }
0x59: {  	[sflag:s19] =	ssyncadd.s32 $0xFFFFC000  }
0x5a: {  	_ =	swait.ge [sflag:s19], $0x4000  }
0x5b: {  	[sflag:s19] =	ssyncset.done $0x0  }
0x5c: {  	s22 =	sadd.s32 $0x1, s22;
	[sflag:s19] =	ssyncadd.s32 $0xFFFFC000  }
0x5d: {  	[hbm4b:s6+s3] =	stream.linear.scatter [tilespmem:s16], [sflag:$0x4], $0x8000, $0x38;
	[tilespmem:$0x16400] =	vst v63  }
0x5e: {  	p0 =	sne.s32 s22, s7;
	_ =	swait.ge [sflag:s20], $0x8000  }
.Ltmp1:
0x5f: {  	[sflag:s20] =	ssyncset.done $0x0;
	(pc) =	sbr.rel @p0 .LBB2_1-.Ltmp1, $4  }
0x60: {  	[sflag:s20] =	ssyncadd.s32 $0xFFFF8000  }
0x61: {  	_ =	swait.ge [sflag:s21], $0x8000  }
0x62: {  	[sflag:s21] =	ssyncset.done $0x0  }
0x63: {  	[sflag:s21] =	ssyncadd.s32 $0xFFFF8000  }
0x64: {  	_ =	sfence.sel $0x180000  }
0x65: {  	[bflag:$0x0] =	sbarrier.arrive $0xFFFF  }
0x66: {  	p0 =	sne.s32 s0, $0x0;
	_ =	strace $0x90000047  }
0x67: {  	s0 =	sadd.s32 @!p0 $0x100000, s2;
	[bflag:$0x2] =	sbarrier.arrive $0xFFFF  }
0x68: {  	[sflag:s0] =	ssyncadd.tile.s32 @!p0 $0x1;
	_ =	shalt  }
.Lfunc_end2:
_tile_overlayer_lowered:
.L_overlay_start_2:
0x69: {  	(tag) =	ssettag $0x2  }
0x6a: {  	s0 =	rddreg [dreg:$0x0];
	s2 =	stileid.u32  }
0x6b: {  	s1 =	rddreg [dreg:$0x1];
	p0 =	sne.s32 s2, $0x0  }
0x6c: {  	s3 =	rddreg [dreg:$0x2];
	[bflag:$0x3] =	sbarrier.arrive $0xFFFF;
	s2 =	simm.s32 @!p0 $0x1C05  }
0x6d: {  	[timem:s3], [sflag:s2] =	dma.local @!p0 [hbm:s0], s1  }
0x6e: {  	s0 =	simm.s32 @!p0 $0x5  }
0x6f: {  	_ =	swait.ge @!p0 [sflag:s0], s1  }
0x70: {  	s1 =	ssub.s32 @!p0 $0x0, s1;
	[sflag:s0] =	ssyncset.done @!p0 $0x0  }
0x71: {  	[sflag:s0] =	ssyncadd.s32 @!p0 s1  }
0x72: {  	[bflag:$0x3] =	sbarrier.arrive $0xFFFF  }
0x73: {  	_ =	shalt  }

</sc_bundles>
